<compile_context>
chip_gen: v7x
topology: tpu7x:2x2x1
jax: 0.10.2.dev20260603
libtpu: 0.0.44.dev20260713+nightly
codegen_flags: <defaults>
</compile_context>

<pallas_src>
import functools

import jax
import jax.numpy as jnp
from jax import lax
from jax.experimental import pallas as pl
from jax.experimental.pallas import tpu as pltpu
from jax.experimental.pallas import tpu_sc as plsc

E = 320000
D = 128
V = 20

NW = 32
PER_W = E // NW
GROUP = 80
NBUF = 5
BATCH = GROUP * NBUF
NOUTER = PER_W // BATCH


def _combos_body(e0_ref, e1_ref, e2_ref, out_ref):
    t01 = e0_ref[...][:, None, None, :] + e1_ref[...][None, :, None, :]
    blk = t01 + e2_ref[...][None, None, :, :]
    out_ref[...] = blk.reshape(V * V * V, D)


def _combos(emb0, emb1, emb2):
    return pl.pallas_call(
        _combos_body,
        out_shape=jax.ShapeDtypeStruct((V * V * V, D), jnp.float32),
    )(emb0, emb1, emb2)


@functools.partial(
    pl.kernel,
    mesh=plsc.VectorSubcoreMesh(core_axis_name="c", subcore_axis_name="s"),
    out_type=jax.ShapeDtypeStruct((E, D), jnp.float32),
    scratch_types=(
        [pltpu.VMEM((PER_W,), jnp.int32)] * 4
        + [pltpu.VMEM((GROUP, D), jnp.float32)] * NBUF
        + [pltpu.SemaphoreType.DMA] * (1 + 2 * NBUF)
    ),
)
def _sc_gather(attr_hbm, combos_hbm, out_hbm,
               a0_v, a1_v, a2_v, cidx_v, *bufs_and_sems):
    rows = bufs_and_sems[:NBUF]
    isem = bufs_and_sems[NBUF]
    gsem = bufs_and_sems[NBUF + 1:2 * NBUF + 1]
    ssem = bufs_and_sems[2 * NBUF + 1:]
    wid = lax.axis_index("s") * 2 + lax.axis_index("c")
    base = wid * PER_W

    cps = [pltpu.async_copy(attr_hbm.at[pl.ds(k * E + base, PER_W)],
                            v, isem)
           for k, v in ((0, a0_v), (1, a1_v), (2, a2_v))]
    for cp in cps:
        cp.wait()

    def fuse_batch(o):
        def fuse_body(j, carry):
            sl = pl.ds(pl.multiple_of(j * 16, 16), 16)
            cidx_v[sl] = a0_v[sl] * 400 + a1_v[sl] * 20 + a2_v[sl]
            return carry
        lax.fori_loop(o * (BATCH // 16), (o + 1) * (BATCH // 16),
                      fuse_body, 0)

    fuse_batch(0)

    def outer_body(o, carry):
        goff = pl.multiple_of(o * BATCH, BATCH)
        gcps = []
        for b in range(NBUF):
            @pl.when(o > 0)
            def _(b=b):
                pltpu.make_async_copy(
                    rows[b], out_hbm.at[pl.ds(0, GROUP)], ssem[b]).wait()
            cidx_sl = cidx_v.at[pl.ds(goff + b * GROUP, GROUP)]
            gcps.append(pltpu.async_copy(
                combos_hbm.at[cidx_sl], rows[b], gsem[b]))
        @pl.when(o + 1 < NOUTER)
        def _():
            fuse_batch(o + 1)
        for b in range(NBUF):
            gcps[b].wait()
            pltpu.async_copy(
                rows[b], out_hbm.at[pl.ds(base + goff + b * GROUP, GROUP)],
                ssem[b])
        return carry

    lax.fori_loop(0, NOUTER, outer_body, 0)
    for b in range(NBUF):
        pltpu.make_async_copy(
            rows[b], out_hbm.at[pl.ds(0, GROUP)], ssem[b]).wait()


def kernel(edge_attr, emb0, emb1, emb2):
    combos = _combos(emb0, emb1, emb2)
    return _sc_gather(edge_attr.T.reshape(3 * E), combos)

# --- scband reference (transcript-rebuilt; emitter-appended) ---
"""Pipeline reference for scband-edge-encoder-40046275068013 (READ-ONLY COPY).

The authoritative reference and input builder live on the scoring server;
editing this copy changes nothing except your own understanding.
"""

import jax, jax.numpy as jnp
import numpy as np

E = 320000
EMB_DIM = 128
VOCAB = 20

def setup_inputs(seed: int = 0) -> dict:
    key = jax.random.key(seed)
    k_idx, k0, k1, k2 = jax.random.split(key, 4)
    edge_attr = jax.random.randint(k_idx, (E, 3), 0, VOCAB, dtype=jnp.int32)
    emb0 = jax.random.normal(k0, (VOCAB, EMB_DIM), dtype=jnp.float32)
    emb1 = jax.random.normal(k1, (VOCAB, EMB_DIM), dtype=jnp.float32)
    emb2 = jax.random.normal(k2, (VOCAB, EMB_DIM), dtype=jnp.float32)
    return {"edge_attr": edge_attr, "emb0": emb0, "emb1": emb1, "emb2": emb2}

def reference(edge_attr, emb0, emb1, emb2):
    # Faithful translation: sum of per-column embedding lookups
    edge_embedding = jnp.take(emb0, edge_attr[:, 0], axis=0)
    edge_embedding = edge_embedding + jnp.take(emb1, edge_attr[:, 1], axis=0)
    edge_embedding = edge_embedding + jnp.take(emb2, edge_attr[:, 2], axis=0)
    return edge_embedding

if __name__ == "__main__":
    import jax
    _d = setup_inputs()
    print(jax.jit(kernel)(*tuple(_d.values())))

</pallas_src>

<mosaic_0001>
#map = affine_map<(d0, d1) -> (0)>
#map1 = affine_map<(d0, d1) -> (0, 0)>
module attributes {stable_mosaic.version = 14 : i64} {
  func.func @_sc_gather(%arg0: i32, %arg1: i32, %arg2: memref<960000xi32, #tpu.memory_space<hbm>>, %arg3: memref<8000x128xf32, #tpu.memory_space<hbm>>, %arg4: memref<320000x128xf32, #tpu.memory_space<hbm>>, %arg5: memref<10000xi32, #tpu.memory_space<vmem>>, %arg6: memref<10000xi32, #tpu.memory_space<vmem>>, %arg7: memref<10000xi32, #tpu.memory_space<vmem>>, %arg8: memref<10000xi32, #tpu.memory_space<vmem>>, %arg9: memref<80x128xf32, #tpu.memory_space<vmem>>, %arg10: memref<80x128xf32, #tpu.memory_space<vmem>>, %arg11: memref<80x128xf32, #tpu.memory_space<vmem>>, %arg12: memref<80x128xf32, #tpu.memory_space<vmem>>, %arg13: memref<80x128xf32, #tpu.memory_space<vmem>>, %arg14: memref<!tpu.dma_semaphore, #tpu.memory_space<semaphore_mem>>, %arg15: memref<!tpu.dma_semaphore, #tpu.memory_space<semaphore_mem>>, %arg16: memref<!tpu.dma_semaphore, #tpu.memory_space<semaphore_mem>>, %arg17: memref<!tpu.dma_semaphore, #tpu.memory_space<semaphore_mem>>, %arg18: memref<!tpu.dma_semaphore, #tpu.memory_space<semaphore_mem>>, %arg19: memref<!tpu.dma_semaphore, #tpu.memory_space<semaphore_mem>>, %arg20: memref<!tpu.dma_semaphore, #tpu.memory_space<semaphore_mem>>, %arg21: memref<!tpu.dma_semaphore, #tpu.memory_space<semaphore_mem>>, %arg22: memref<!tpu.dma_semaphore, #tpu.memory_space<semaphore_mem>>, %arg23: memref<!tpu.dma_semaphore, #tpu.memory_space<semaphore_mem>>, %arg24: memref<!tpu.dma_semaphore, #tpu.memory_space<semaphore_mem>>) attributes {dimension_semantics = [#tpu.dimension_semantics<core_parallel>, #tpu.dimension_semantics<subcore_parallel>], iteration_bounds = array<i64: 2, 16>, scalar_prefetch = 0 : i64, scratch_operands = 20 : i64, tpu.core_type = #tpu.core_type<sc_vector_subcore>, window_params = [{transform_indices = #map}, {transform_indices = #map1}, {transform_indices = #map1}]} {
    %mul3A = arith.constant 2 : i32
    %mul3A_0 = arith.muli %arg1, %mul3A : i32
    %add3A = arith.addi %mul3A_0, %arg0 : i32
    %mul3A_1 = arith.constant 10000 : i32
    %mul3A_2 = arith.muli %add3A, %mul3A_1 : i32
    %add3A_3 = arith.constant 0 : i32
    %add3A_4 = arith.addi %add3A_3, %mul3A_2 : i32
    %dma_start3A = tpu.memref_slice %arg2[%add3A_4] : memref<960000xi32, #tpu.memory_space<hbm>> -> memref<10000xi32, #tpu.memory_space<hbm>>
    %dma_start3A_5 = tpu.memref_slice %arg2[%add3A_4] : memref<960000xi32, #tpu.memory_space<hbm>> -> memref<10000xi32, #tpu.memory_space<hbm>>
    tpu.enqueue_dma source(%dma_start3A_5 : memref<10000xi32, #tpu.memory_space<hbm>>) target(%arg5 : memref<10000xi32, #tpu.memory_space<vmem>>) target_semaphore(%arg14 : memref<!tpu.dma_semaphore, #tpu.memory_space<semaphore_mem>>)
    %add3A_6 = arith.constant 320000 : i32
    %add3A_7 = arith.addi %add3A_6, %mul3A_2 : i32
    %dma_start3A_8 = tpu.memref_slice %arg2[%add3A_7] : memref<960000xi32, #tpu.memory_space<hbm>> -> memref<10000xi32, #tpu.memory_space<hbm>>
    %dma_start3A_9 = tpu.memref_slice %arg2[%add3A_7] : memref<960000xi32, #tpu.memory_space<hbm>> -> memref<10000xi32, #tpu.memory_space<hbm>>
    tpu.enqueue_dma source(%dma_start3A_9 : memref<10000xi32, #tpu.memory_space<hbm>>) target(%arg6 : memref<10000xi32, #tpu.memory_space<vmem>>) target_semaphore(%arg14 : memref<!tpu.dma_semaphore, #tpu.memory_space<semaphore_mem>>)
    %add3A_10 = arith.constant 640000 : i32
    %add3A_11 = arith.addi %add3A_10, %mul3A_2 : i32
    %dma_start3A_12 = tpu.memref_slice %arg2[%add3A_11] : memref<960000xi32, #tpu.memory_space<hbm>> -> memref<10000xi32, #tpu.memory_space<hbm>>
    %dma_start3A_13 = tpu.memref_slice %arg2[%add3A_11] : memref<960000xi32, #tpu.memory_space<hbm>> -> memref<10000xi32, #tpu.memory_space<hbm>>
    tpu.enqueue_dma source(%dma_start3A_13 : memref<10000xi32, #tpu.memory_space<hbm>>) target(%arg7 : memref<10000xi32, #tpu.memory_space<vmem>>) target_semaphore(%arg14 : memref<!tpu.dma_semaphore, #tpu.memory_space<semaphore_mem>>)
    %dma_wait3A = tpu.memref_slice %arg2[%add3A_4] : memref<960000xi32, #tpu.memory_space<hbm>> -> memref<10000xi32, #tpu.memory_space<hbm>>
    %dma_wait3A_14 = tpu.memref_slice %arg2[%add3A_4] : memref<960000xi32, #tpu.memory_space<hbm>> -> memref<10000xi32, #tpu.memory_space<hbm>>
    tpu.wait_dma2 semaphore(%arg14 : memref<!tpu.dma_semaphore, #tpu.memory_space<semaphore_mem>>) src(%dma_wait3A_14 : memref<10000xi32, #tpu.memory_space<hbm>>) dst(%arg5 : memref<10000xi32, #tpu.memory_space<vmem>>)
    %dma_wait3A_15 = tpu.memref_slice %arg2[%add3A_7] : memref<960000xi32, #tpu.memory_space<hbm>> -> memref<10000xi32, #tpu.memory_space<hbm>>
    %dma_wait3A_16 = tpu.memref_slice %arg2[%add3A_7] : memref<960000xi32, #tpu.memory_space<hbm>> -> memref<10000xi32, #tpu.memory_space<hbm>>
    tpu.wait_dma2 semaphore(%arg14 : memref<!tpu.dma_semaphore, #tpu.memory_space<semaphore_mem>>) src(%dma_wait3A_16 : memref<10000xi32, #tpu.memory_space<hbm>>) dst(%arg6 : memref<10000xi32, #tpu.memory_space<vmem>>)
    %dma_wait3A_17 = tpu.memref_slice %arg2[%add3A_11] : memref<960000xi32, #tpu.memory_space<hbm>> -> memref<10000xi32, #tpu.memory_space<hbm>>
    %dma_wait3A_18 = tpu.memref_slice %arg2[%add3A_11] : memref<960000xi32, #tpu.memory_space<hbm>> -> memref<10000xi32, #tpu.memory_space<hbm>>
    tpu.wait_dma2 semaphore(%arg14 : memref<!tpu.dma_semaphore, #tpu.memory_space<semaphore_mem>>) src(%dma_wait3A_18 : memref<10000xi32, #tpu.memory_space<hbm>>) dst(%arg7 : memref<10000xi32, #tpu.memory_space<vmem>>)
    %scan3A = arith.constant 0 : i32
    %scan3A_19 = arith.constant 0 : i32
    %scan3A_20 = arith.constant 25 : i32
    %scan3A_21 = arith.addi %scan3A_19, %scan3A_20 : i32
    %scan3A_22 = arith.constant 1 : i32
    scf.for %scan3A_60 = %scan3A_19 to %scan3A_21 step %scan3A_22  : i32 {
      %mul3A_61 = arith.constant 16 : i32
      %mul3A_62 = arith.muli %scan3A_60, %mul3A_61 : i32
      %multiple_of3A = tpu.assume_multiple %mul3A_62, 16 : i32
      %get3A = arith.index_cast %multiple_of3A : i32 to index
      %get3A_63 = tpu.vector_load %arg5[%get3A] {strides = array<i32>} : memref<10000xi32, #tpu.memory_space<vmem>>, vector<16xi32>,
      %get3A_64 = vector.shape_cast %get3A_63 : vector<16xi32> to vector<16xi32>
      %mul3A_65 = arith.constant 400 : i32
      %mul3A_66 = vector.broadcast %mul3A_65 : i32 to vector<16xi32>
      %mul3A_67 = arith.muli %get3A_64, %mul3A_66 : vector<16xi32>
      %get3A_68 = arith.index_cast %multiple_of3A : i32 to index
      %get3A_69 = tpu.vector_load %arg6[%get3A_68] {strides = array<i32>} : memref<10000xi32, #tpu.memory_space<vmem>>, vector<16xi32>,
      %get3A_70 = vector.shape_cast %get3A_69 : vector<16xi32> to vector<16xi32>
      %mul3A_71 = arith.constant 20 : i32
      %mul3A_72 = vector.broadcast %mul3A_71 : i32 to vector<16xi32>
      %mul3A_73 = arith.muli %get3A_70, %mul3A_72 : vector<16xi32>
      %add3A_74 = arith.addi %mul3A_67, %mul3A_73 : vector<16xi32>
      %get3A_75 = arith.index_cast %multiple_of3A : i32 to index
      %get3A_76 = tpu.vector_load %arg7[%get3A_75] {strides = array<i32>} : memref<10000xi32, #tpu.memory_space<vmem>>, vector<16xi32>,
      %get3A_77 = vector.shape_cast %get3A_76 : vector<16xi32> to vector<16xi32>
      %add3A_78 = arith.addi %add3A_74, %get3A_77 : vector<16xi32>
      %swap3A = arith.index_cast %multiple_of3A : i32 to index
      %swap3A_79 = tpu.vector_load %arg8[%swap3A] {strides = array<i32>} : memref<10000xi32, #tpu.memory_space<vmem>>, vector<16xi32>,
      %swap3A_80 = vector.shape_cast %swap3A_79 : vector<16xi32> to vector<16xi32>
      %swap3A_81 = vector.shape_cast %add3A_78 : vector<16xi32> to vector<16xi32>
      tpu.vector_store %arg8[%swap3A], %swap3A_81 {strides = array<i32>} : memref<10000xi32, #tpu.memory_space<vmem>>, vector<16xi32>,
    }
    %scan3A_23 = arith.constant 25 : i32
    %scan3A_24 = arith.constant 0 : i32
    %scan3A_25 = arith.constant 0 : i32
    %scan3A_26 = arith.constant 25 : i32
    %scan3A_27 = arith.addi %scan3A_25, %scan3A_26 : i32
    %scan3A_28 = arith.constant 1 : i32
    scf.for %scan3A_60 = %scan3A_25 to %scan3A_27 step %scan3A_28  : i32 {
      %mul3A_61 = arith.constant 400 : i32
      %mul3A_62 = arith.muli %scan3A_60, %mul3A_61 : i32
      %multiple_of3A = tpu.assume_multiple %mul3A_62, 400 : i32
      %gt3A = arith.constant 0 : i32
      %gt3A_63 = arith.cmpi sgt, %scan3A_60, %gt3A : i32
      %convert_element_type3A = arith.extui %gt3A_63 : i1 to i32
      %cond3A = arith.constant 0 : i32
      %cond3A_64 = arith.cmpi ne, %convert_element_type3A, %cond3A : i32
      scf.if %cond3A_64 {
        %dma_wait3A_176 = arith.constant 0 : i32
        %dma_wait3A_177 = arith.constant 0 : i32
        %dma_wait3A_178 = tpu.memref_slice %arg4[%dma_wait3A_176, %dma_wait3A_177] : memref<320000x128xf32, #tpu.memory_space<hbm>> -> memref<80x128xf32, #tpu.memory_space<hbm>>
        %dma_wait3A_179 = arith.constant 0 : i32
        %dma_wait3A_180 = arith.constant 0 : i32
        %dma_wait3A_181 = tpu.memref_slice %arg4[%dma_wait3A_179, %dma_wait3A_180] : memref<320000x128xf32, #tpu.memory_space<hbm>> -> memref<80x128xf32, #tpu.memory_space<hbm>>
        tpu.wait_dma2 semaphore(%arg20 : memref<!tpu.dma_semaphore, #tpu.memory_space<semaphore_mem>>) src(%arg9 : memref<80x128xf32, #tpu.memory_space<vmem>>) dst(%dma_wait3A_181 : memref<80x128xf32, #tpu.memory_space<hbm>>)
      } else {
      }
      %add3A_65 = arith.constant 0 : i32
      %add3A_66 = arith.addi %multiple_of3A, %add3A_65 : i32
      %dma_start3A_67 = tpu.memref_slice %arg8[%add3A_66] : memref<10000xi32, #tpu.memory_space<vmem>> -> memref<80xi32, #tpu.memory_space<vmem>>
      %dma_start3A_68 = arith.constant 0 : i32
      %dma_start3A_69 = arith.constant 0 : i32
      %dma_start3A_70 = tpu.memref_slice %arg3[%dma_start3A_68, %dma_start3A_69] : memref<8000x128xf32, #tpu.memory_space<hbm>> -> memref<8000x128xf32, #tpu.memory_space<hbm>>
      tpu.enqueue_indirect_dma source(%dma_start3A_70 : memref<8000x128xf32, #tpu.memory_space<hbm>>) target(%arg9 : memref<80x128xf32, #tpu.memory_space<vmem>>) offsets(%dma_start3A_67 : memref<80xi32, #tpu.memory_space<vmem>>) semaphore(%arg15 : memref<!tpu.dma_semaphore, #tpu.memory_space<semaphore_mem>>)
      %gt3A_71 = arith.constant 0 : i32
      %gt3A_72 = arith.cmpi sgt, %scan3A_60, %gt3A_71 : i32
      %convert_element_type3A_73 = arith.extui %gt3A_72 : i1 to i32
      %cond3A_74 = arith.constant 0 : i32
      %cond3A_75 = arith.cmpi ne, %convert_element_type3A_73, %cond3A_74 : i32
      scf.if %cond3A_75 {
        %dma_wait3A_176 = arith.constant 0 : i32
        %dma_wait3A_177 = arith.constant 0 : i32
        %dma_wait3A_178 = tpu.memref_slice %arg4[%dma_wait3A_176, %dma_wait3A_177] : memref<320000x128xf32, #tpu.memory_space<hbm>> -> memref<80x128xf32, #tpu.memory_space<hbm>>
        %dma_wait3A_179 = arith.constant 0 : i32
        %dma_wait3A_180 = arith.constant 0 : i32
        %dma_wait3A_181 = tpu.memref_slice %arg4[%dma_wait3A_179, %dma_wait3A_180] : memref<320000x128xf32, #tpu.memory_space<hbm>> -> memref<80x128xf32, #tpu.memory_space<hbm>>
        tpu.wait_dma2 semaphore(%arg21 : memref<!tpu.dma_semaphore, #tpu.memory_space<semaphore_mem>>) src(%arg10 : memref<80x128xf32, #tpu.memory_space<vmem>>) dst(%dma_wait3A_181 : memref<80x128xf32, #tpu.memory_space<hbm>>)
      } else {
      }
      %add3A_76 = arith.constant 80 : i32
      %add3A_77 = arith.addi %multiple_of3A, %add3A_76 : i32
      %dma_start3A_78 = tpu.memref_slice %arg8[%add3A_77] : memref<10000xi32, #tpu.memory_space<vmem>> -> memref<80xi32, #tpu.memory_space<vmem>>
      %dma_start3A_79 = arith.constant 0 : i32
      %dma_start3A_80 = arith.constant 0 : i32
      %dma_start3A_81 = tpu.memref_slice %arg3[%dma_start3A_79, %dma_start3A_80] : memref<8000x128xf32, #tpu.memory_space<hbm>> -> memref<8000x128xf32, #tpu.memory_space<hbm>>
      tpu.enqueue_indirect_dma source(%dma_start3A_81 : memref<8000x128xf32, #tpu.memory_space<hbm>>) target(%arg10 : memref<80x128xf32, #tpu.memory_space<vmem>>) offsets(%dma_start3A_78 : memref<80xi32, #tpu.memory_space<vmem>>) semaphore(%arg16 : memref<!tpu.dma_semaphore, #tpu.memory_space<semaphore_mem>>)
      %gt3A_82 = arith.constant 0 : i32
      %gt3A_83 = arith.cmpi sgt, %scan3A_60, %gt3A_82 : i32
      %convert_element_type3A_84 = arith.extui %gt3A_83 : i1 to i32
      %cond3A_85 = arith.constant 0 : i32
      %cond3A_86 = arith.cmpi ne, %convert_element_type3A_84, %cond3A_85 : i32
      scf.if %cond3A_86 {
        %dma_wait3A_176 = arith.constant 0 : i32
        %dma_wait3A_177 = arith.constant 0 : i32
        %dma_wait3A_178 = tpu.memref_slice %arg4[%dma_wait3A_176, %dma_wait3A_177] : memref<320000x128xf32, #tpu.memory_space<hbm>> -> memref<80x128xf32, #tpu.memory_space<hbm>>
        %dma_wait3A_179 = arith.constant 0 : i32
        %dma_wait3A_180 = arith.constant 0 : i32
        %dma_wait3A_181 = tpu.memref_slice %arg4[%dma_wait3A_179, %dma_wait3A_180] : memref<320000x128xf32, #tpu.memory_space<hbm>> -> memref<80x128xf32, #tpu.memory_space<hbm>>
        tpu.wait_dma2 semaphore(%arg22 : memref<!tpu.dma_semaphore, #tpu.memory_space<semaphore_mem>>) src(%arg11 : memref<80x128xf32, #tpu.memory_space<vmem>>) dst(%dma_wait3A_181 : memref<80x128xf32, #tpu.memory_space<hbm>>)
      } else {
      }
      %add3A_87 = arith.constant 160 : i32
      %add3A_88 = arith.addi %multiple_of3A, %add3A_87 : i32
      %dma_start3A_89 = tpu.memref_slice %arg8[%add3A_88] : memref<10000xi32, #tpu.memory_space<vmem>> -> memref<80xi32, #tpu.memory_space<vmem>>
      %dma_start3A_90 = arith.constant 0 : i32
      %dma_start3A_91 = arith.constant 0 : i32
      %dma_start3A_92 = tpu.memref_slice %arg3[%dma_start3A_90, %dma_start3A_91] : memref<8000x128xf32, #tpu.memory_space<hbm>> -> memref<8000x128xf32, #tpu.memory_space<hbm>>
      tpu.enqueue_indirect_dma source(%dma_start3A_92 : memref<8000x128xf32, #tpu.memory_space<hbm>>) target(%arg11 : memref<80x128xf32, #tpu.memory_space<vmem>>) offsets(%dma_start3A_89 : memref<80xi32, #tpu.memory_space<vmem>>) semaphore(%arg17 : memref<!tpu.dma_semaphore, #tpu.memory_space<semaphore_mem>>)
      %gt3A_93 = arith.constant 0 : i32
      %gt3A_94 = arith.cmpi sgt, %scan3A_60, %gt3A_93 : i32
      %convert_element_type3A_95 = arith.extui %gt3A_94 : i1 to i32
      %cond3A_96 = arith.constant 0 : i32
      %cond3A_97 = arith.cmpi ne, %convert_element_type3A_95, %cond3A_96 : i32
      scf.if %cond3A_97 {
        %dma_wait3A_176 = arith.constant 0 : i32
        %dma_wait3A_177 = arith.constant 0 : i32
        %dma_wait3A_178 = tpu.memref_slice %arg4[%dma_wait3A_176, %dma_wait3A_177] : memref<320000x128xf32, #tpu.memory_space<hbm>> -> memref<80x128xf32, #tpu.memory_space<hbm>>
        %dma_wait3A_179 = arith.constant 0 : i32
        %dma_wait3A_180 = arith.constant 0 : i32
        %dma_wait3A_181 = tpu.memref_slice %arg4[%dma_wait3A_179, %dma_wait3A_180] : memref<320000x128xf32, #tpu.memory_space<hbm>> -> memref<80x128xf32, #tpu.memory_space<hbm>>
        tpu.wait_dma2 semaphore(%arg23 : memref<!tpu.dma_semaphore, #tpu.memory_space<semaphore_mem>>) src(%arg12 : memref<80x128xf32, #tpu.memory_space<vmem>>) dst(%dma_wait3A_181 : memref<80x128xf32, #tpu.memory_space<hbm>>)
      } else {
      }
      %add3A_98 = arith.constant 240 : i32
      %add3A_99 = arith.addi %multiple_of3A, %add3A_98 : i32
      %dma_start3A_100 = tpu.memref_slice %arg8[%add3A_99] : memref<10000xi32, #tpu.memory_space<vmem>> -> memref<80xi32, #tpu.memory_space<vmem>>
      %dma_start3A_101 = arith.constant 0 : i32
      %dma_start3A_102 = arith.constant 0 : i32
      %dma_start3A_103 = tpu.memref_slice %arg3[%dma_start3A_101, %dma_start3A_102] : memref<8000x128xf32, #tpu.memory_space<hbm>> -> memref<8000x128xf32, #tpu.memory_space<hbm>>
      tpu.enqueue_indirect_dma source(%dma_start3A_103 : memref<8000x128xf32, #tpu.memory_space<hbm>>) target(%arg12 : memref<80x128xf32, #tpu.memory_space<vmem>>) offsets(%dma_start3A_100 : memref<80xi32, #tpu.memory_space<vmem>>) semaphore(%arg18 : memref<!tpu.dma_semaphore, #tpu.memory_space<semaphore_mem>>)
      %gt3A_104 = arith.constant 0 : i32
      %gt3A_105 = arith.cmpi sgt, %scan3A_60, %gt3A_104 : i32
      %convert_element_type3A_106 = arith.extui %gt3A_105 : i1 to i32
      %cond3A_107 = arith.constant 0 : i32
      %cond3A_108 = arith.cmpi ne, %convert_element_type3A_106, %cond3A_107 : i32
      scf.if %cond3A_108 {
        %dma_wait3A_176 = arith.constant 0 : i32
        %dma_wait3A_177 = arith.constant 0 : i32
        %dma_wait3A_178 = tpu.memref_slice %arg4[%dma_wait3A_176, %dma_wait3A_177] : memref<320000x128xf32, #tpu.memory_space<hbm>> -> memref<80x128xf32, #tpu.memory_space<hbm>>
        %dma_wait3A_179 = arith.constant 0 : i32
        %dma_wait3A_180 = arith.constant 0 : i32
        %dma_wait3A_181 = tpu.memref_slice %arg4[%dma_wait3A_179, %dma_wait3A_180] : memref<320000x128xf32, #tpu.memory_space<hbm>> -> memref<80x128xf32, #tpu.memory_space<hbm>>
        tpu.wait_dma2 semaphore(%arg24 : memref<!tpu.dma_semaphore, #tpu.memory_space<semaphore_mem>>) src(%arg13 : memref<80x128xf32, #tpu.memory_space<vmem>>) dst(%dma_wait3A_181 : memref<80x128xf32, #tpu.memory_space<hbm>>)
      } else {
      }
      %add3A_109 = arith.constant 320 : i32
      %add3A_110 = arith.addi %multiple_of3A, %add3A_109 : i32
      %dma_start3A_111 = tpu.memref_slice %arg8[%add3A_110] : memref<10000xi32, #tpu.memory_space<vmem>> -> memref<80xi32, #tpu.memory_space<vmem>>
      %dma_start3A_112 = arith.constant 0 : i32
      %dma_start3A_113 = arith.constant 0 : i32
      %dma_start3A_114 = tpu.memref_slice %arg3[%dma_start3A_112, %dma_start3A_113] : memref<8000x128xf32, #tpu.memory_space<hbm>> -> memref<8000x128xf32, #tpu.memory_space<hbm>>
      tpu.enqueue_indirect_dma source(%dma_start3A_114 : memref<8000x128xf32, #tpu.memory_space<hbm>>) target(%arg13 : memref<80x128xf32, #tpu.memory_space<vmem>>) offsets(%dma_start3A_111 : memref<80xi32, #tpu.memory_space<vmem>>) semaphore(%arg19 : memref<!tpu.dma_semaphore, #tpu.memory_space<semaphore_mem>>)
      %add3A_115 = arith.constant 1 : i32
      %add3A_116 = arith.addi %scan3A_60, %add3A_115 : i32
      %lt3A = arith.constant 25 : i32
      %lt3A_117 = arith.cmpi slt, %add3A_116, %lt3A : i32
      %convert_element_type3A_118 = arith.extui %lt3A_117 : i1 to i32
      %cond3A_119 = arith.constant 0 : i32
      %cond3A_120 = arith.cmpi ne, %convert_element_type3A_118, %cond3A_119 : i32
      scf.if %cond3A_120 {
        %add3A_176 = arith.constant 1 : i32
        %add3A_177 = arith.addi %scan3A_60, %add3A_176 : i32
        %mul3A_178 = arith.constant 25 : i32
        %mul3A_179 = arith.muli %add3A_177, %mul3A_178 : i32
        %add3A_180 = arith.constant 1 : i32
        %add3A_181 = arith.addi %add3A_177, %add3A_180 : i32
        %mul3A_182 = arith.constant 25 : i32
        %mul3A_183 = arith.muli %add3A_181, %mul3A_182 : i32
        %while3A = arith.constant 0 : i32
        %while3A_184 = arith.subi %mul3A_183, %mul3A_179 : i32
        %while3A_185 = arith.addi %mul3A_179, %while3A_184 : i32
        %while3A_186 = arith.constant 1 : i32
        %while3A_187 = arith.divsi %while3A_184, %while3A_186 : i32
        %while3A_188 = arith.muli %while3A_187, %while3A_186 : i32
        %while3A_189 = arith.addi %mul3A_179, %while3A_188 : i32
        %while3A_190 = arith.constant 1 : i32
        scf.for %while3A_192 = %mul3A_179 to %while3A_189 step %while3A_190  : i32 {
          %mul3A_193 = arith.constant 16 : i32
          %mul3A_194 = arith.muli %while3A_192, %mul3A_193 : i32
          %multiple_of3A_195 = tpu.assume_multiple %mul3A_194, 16 : i32
          %get3A = arith.index_cast %multiple_of3A_195 : i32 to index
          %get3A_196 = tpu.vector_load %arg5[%get3A] {strides = array<i32>} : memref<10000xi32, #tpu.memory_space<vmem>>, vector<16xi32>,
          %get3A_197 = vector.shape_cast %get3A_196 : vector<16xi32> to vector<16xi32>
          %mul3A_198 = arith.constant 400 : i32
          %mul3A_199 = vector.broadcast %mul3A_198 : i32 to vector<16xi32>
          %mul3A_200 = arith.muli %get3A_197, %mul3A_199 : vector<16xi32>
          %get3A_201 = arith.index_cast %multiple_of3A_195 : i32 to index
          %get3A_202 = tpu.vector_load %arg6[%get3A_201] {strides = array<i32>} : memref<10000xi32, #tpu.memory_space<vmem>>, vector<16xi32>,
          %get3A_203 = vector.shape_cast %get3A_202 : vector<16xi32> to vector<16xi32>
          %mul3A_204 = arith.constant 20 : i32
          %mul3A_205 = vector.broadcast %mul3A_204 : i32 to vector<16xi32>
          %mul3A_206 = arith.muli %get3A_203, %mul3A_205 : vector<16xi32>
          %add3A_207 = arith.addi %mul3A_200, %mul3A_206 : vector<16xi32>
          %get3A_208 = arith.index_cast %multiple_of3A_195 : i32 to index
          %get3A_209 = tpu.vector_load %arg7[%get3A_208] {strides = array<i32>} : memref<10000xi32, #tpu.memory_space<vmem>>, vector<16xi32>,
          %get3A_210 = vector.shape_cast %get3A_209 : vector<16xi32> to vector<16xi32>
          %add3A_211 = arith.addi %add3A_207, %get3A_210 : vector<16xi32>
          %swap3A = arith.index_cast %multiple_of3A_195 : i32 to index
          %swap3A_212 = tpu.vector_load %arg8[%swap3A] {strides = array<i32>} : memref<10000xi32, #tpu.memory_space<vmem>>, vector<16xi32>,
          %swap3A_213 = vector.shape_cast %swap3A_212 : vector<16xi32> to vector<16xi32>
          %swap3A_214 = vector.shape_cast %add3A_211 : vector<16xi32> to vector<16xi32>
          tpu.vector_store %arg8[%swap3A], %swap3A_214 {strides = array<i32>} : memref<10000xi32, #tpu.memory_space<vmem>>, vector<16xi32>,
        }
        %while3A_191 = arith.constant 1 : i32
        scf.for %while3A_192 = %while3A_189 to %while3A_185 step %while3A_191  : i32 {
          %mul3A_193 = arith.constant 16 : i32
          %mul3A_194 = arith.muli %while3A_192, %mul3A_193 : i32
          %multiple_of3A_195 = tpu.assume_multiple %mul3A_194, 16 : i32
          %get3A = arith.index_cast %multiple_of3A_195 : i32 to index
          %get3A_196 = tpu.vector_load %arg5[%get3A] {strides = array<i32>} : memref<10000xi32, #tpu.memory_space<vmem>>, vector<16xi32>,
          %get3A_197 = vector.shape_cast %get3A_196 : vector<16xi32> to vector<16xi32>
          %mul3A_198 = arith.constant 400 : i32
          %mul3A_199 = vector.broadcast %mul3A_198 : i32 to vector<16xi32>
          %mul3A_200 = arith.muli %get3A_197, %mul3A_199 : vector<16xi32>
          %get3A_201 = arith.index_cast %multiple_of3A_195 : i32 to index
          %get3A_202 = tpu.vector_load %arg6[%get3A_201] {strides = array<i32>} : memref<10000xi32, #tpu.memory_space<vmem>>, vector<16xi32>,
          %get3A_203 = vector.shape_cast %get3A_202 : vector<16xi32> to vector<16xi32>
          %mul3A_204 = arith.constant 20 : i32
          %mul3A_205 = vector.broadcast %mul3A_204 : i32 to vector<16xi32>
          %mul3A_206 = arith.muli %get3A_203, %mul3A_205 : vector<16xi32>
          %add3A_207 = arith.addi %mul3A_200, %mul3A_206 : vector<16xi32>
          %get3A_208 = arith.index_cast %multiple_of3A_195 : i32 to index
          %get3A_209 = tpu.vector_load %arg7[%get3A_208] {strides = array<i32>} : memref<10000xi32, #tpu.memory_space<vmem>>, vector<16xi32>,
          %get3A_210 = vector.shape_cast %get3A_209 : vector<16xi32> to vector<16xi32>
          %add3A_211 = arith.addi %add3A_207, %get3A_210 : vector<16xi32>
          %swap3A = arith.index_cast %multiple_of3A_195 : i32 to index
          %swap3A_212 = tpu.vector_load %arg8[%swap3A] {strides = array<i32>} : memref<10000xi32, #tpu.memory_space<vmem>>, vector<16xi32>,
          %swap3A_213 = vector.shape_cast %swap3A_212 : vector<16xi32> to vector<16xi32>
          %swap3A_214 = vector.shape_cast %add3A_211 : vector<16xi32> to vector<16xi32>
          tpu.vector_store %arg8[%swap3A], %swap3A_214 {strides = array<i32>} : memref<10000xi32, #tpu.memory_space<vmem>>, vector<16xi32>,
        }
      } else {
      }
      %dma_wait3A_121 = tpu.memref_slice %arg8[%add3A_66] : memref<10000xi32, #tpu.memory_space<vmem>> -> memref<80xi32, #tpu.memory_space<vmem>>
      %dma_wait3A_122 = arith.constant 0 : i32
      %dma_wait3A_123 = arith.constant 0 : i32
      %dma_wait3A_124 = tpu.memref_slice %arg3[%dma_wait3A_122, %dma_wait3A_123] : memref<8000x128xf32, #tpu.memory_space<hbm>> -> memref<8000x128xf32, #tpu.memory_space<hbm>>
      tpu.wait_indirect_dma semaphore(%arg15 : memref<!tpu.dma_semaphore, #tpu.memory_space<semaphore_mem>>) src(%dma_wait3A_124 : memref<8000x128xf32, #tpu.memory_space<hbm>>) dst(%arg9 : memref<80x128xf32, #tpu.memory_space<vmem>>)
      %add3A_125 = arith.addi %mul3A_2, %multiple_of3A : i32
      %add3A_126 = arith.constant 0 : i32
      %add3A_127 = arith.addi %add3A_125, %add3A_126 : i32
      %dma_start3A_128 = arith.constant 0 : i32
      %dma_start3A_129 = tpu.memref_slice %arg4[%add3A_127, %dma_start3A_128] : memref<320000x128xf32, #tpu.memory_space<hbm>> -> memref<80x128xf32, #tpu.memory_space<hbm>>
      %dma_start3A_130 = arith.constant 0 : i32
      %dma_start3A_131 = tpu.memref_slice %arg4[%add3A_127, %dma_start3A_130] : memref<320000x128xf32, #tpu.memory_space<hbm>> -> memref<80x128xf32, #tpu.memory_space<hbm>>
      tpu.enqueue_dma source(%arg9 : memref<80x128xf32, #tpu.memory_space<vmem>>) target(%dma_start3A_131 : memref<80x128xf32, #tpu.memory_space<hbm>>) target_semaphore(%arg20 : memref<!tpu.dma_semaphore, #tpu.memory_space<semaphore_mem>>)
      %dma_wait3A_132 = tpu.memref_slice %arg8[%add3A_77] : memref<10000xi32, #tpu.memory_space<vmem>> -> memref<80xi32, #tpu.memory_space<vmem>>
      %dma_wait3A_133 = arith.constant 0 : i32
      %dma_wait3A_134 = arith.constant 0 : i32
      %dma_wait3A_135 = tpu.memref_slice %arg3[%dma_wait3A_133, %dma_wait3A_134] : memref<8000x128xf32, #tpu.memory_space<hbm>> -> memref<8000x128xf32, #tpu.memory_space<hbm>>
      tpu.wait_indirect_dma semaphore(%arg16 : memref<!tpu.dma_semaphore, #tpu.memory_space<semaphore_mem>>) src(%dma_wait3A_135 : memref<8000x128xf32, #tpu.memory_space<hbm>>) dst(%arg10 : memref<80x128xf32, #tpu.memory_space<vmem>>)
      %add3A_136 = arith.addi %mul3A_2, %multiple_of3A : i32
      %add3A_137 = arith.constant 80 : i32
      %add3A_138 = arith.addi %add3A_136, %add3A_137 : i32
      %dma_start3A_139 = arith.constant 0 : i32
      %dma_start3A_140 = tpu.memref_slice %arg4[%add3A_138, %dma_start3A_139] : memref<320000x128xf32, #tpu.memory_space<hbm>> -> memref<80x128xf32, #tpu.memory_space<hbm>>
      %dma_start3A_141 = arith.constant 0 : i32
      %dma_start3A_142 = tpu.memref_slice %arg4[%add3A_138, %dma_start3A_141] : memref<320000x128xf32, #tpu.memory_space<hbm>> -> memref<80x128xf32, #tpu.memory_space<hbm>>
      tpu.enqueue_dma source(%arg10 : memref<80x128xf32, #tpu.memory_space<vmem>>) target(%dma_start3A_142 : memref<80x128xf32, #tpu.memory_space<hbm>>) target_semaphore(%arg21 : memref<!tpu.dma_semaphore, #tpu.memory_space<semaphore_mem>>)
      %dma_wait3A_143 = tpu.memref_slice %arg8[%add3A_88] : memref<10000xi32, #tpu.memory_space<vmem>> -> memref<80xi32, #tpu.memory_space<vmem>>
      %dma_wait3A_144 = arith.constant 0 : i32
      %dma_wait3A_145 = arith.constant 0 : i32
      %dma_wait3A_146 = tpu.memref_slice %arg3[%dma_wait3A_144, %dma_wait3A_145] : memref<8000x128xf32, #tpu.memory_space<hbm>> -> memref<8000x128xf32, #tpu.memory_space<hbm>>
      tpu.wait_indirect_dma semaphore(%arg17 : memref<!tpu.dma_semaphore, #tpu.memory_space<semaphore_mem>>) src(%dma_wait3A_146 : memref<8000x128xf32, #tpu.memory_space<hbm>>) dst(%arg11 : memref<80x128xf32, #tpu.memory_space<vmem>>)
      %add3A_147 = arith.addi %mul3A_2, %multiple_of3A : i32
      %add3A_148 = arith.constant 160 : i32
      %add3A_149 = arith.addi %add3A_147, %add3A_148 : i32
      %dma_start3A_150 = arith.constant 0 : i32
      %dma_start3A_151 = tpu.memref_slice %arg4[%add3A_149, %dma_start3A_150] : memref<320000x128xf32, #tpu.memory_space<hbm>> -> memref<80x128xf32, #tpu.memory_space<hbm>>
      %dma_start3A_152 = arith.constant 0 : i32
      %dma_start3A_153 = tpu.memref_slice %arg4[%add3A_149, %dma_start3A_152] : memref<320000x128xf32, #tpu.memory_space<hbm>> -> memref<80x128xf32, #tpu.memory_space<hbm>>
      tpu.enqueue_dma source(%arg11 : memref<80x128xf32, #tpu.memory_space<vmem>>) target(%dma_start3A_153 : memref<80x128xf32, #tpu.memory_space<hbm>>) target_semaphore(%arg22 : memref<!tpu.dma_semaphore, #tpu.memory_space<semaphore_mem>>)
      %dma_wait3A_154 = tpu.memref_slice %arg8[%add3A_99] : memref<10000xi32, #tpu.memory_space<vmem>> -> memref<80xi32, #tpu.memory_space<vmem>>
      %dma_wait3A_155 = arith.constant 0 : i32
      %dma_wait3A_156 = arith.constant 0 : i32
      %dma_wait3A_157 = tpu.memref_slice %arg3[%dma_wait3A_155, %dma_wait3A_156] : memref<8000x128xf32, #tpu.memory_space<hbm>> -> memref<8000x128xf32, #tpu.memory_space<hbm>>
      tpu.wait_indirect_dma semaphore(%arg18 : memref<!tpu.dma_semaphore, #tpu.memory_space<semaphore_mem>>) src(%dma_wait3A_157 : memref<8000x128xf32, #tpu.memory_space<hbm>>) dst(%arg12 : memref<80x128xf32, #tpu.memory_space<vmem>>)
      %add3A_158 = arith.addi %mul3A_2, %multiple_of3A : i32
      %add3A_159 = arith.constant 240 : i32
      %add3A_160 = arith.addi %add3A_158, %add3A_159 : i32
      %dma_start3A_161 = arith.constant 0 : i32
      %dma_start3A_162 = tpu.memref_slice %arg4[%add3A_160, %dma_start3A_161] : memref<320000x128xf32, #tpu.memory_space<hbm>> -> memref<80x128xf32, #tpu.memory_space<hbm>>
      %dma_start3A_163 = arith.constant 0 : i32
      %dma_start3A_164 = tpu.memref_slice %arg4[%add3A_160, %dma_start3A_163] : memref<320000x128xf32, #tpu.memory_space<hbm>> -> memref<80x128xf32, #tpu.memory_space<hbm>>
      tpu.enqueue_dma source(%arg12 : memref<80x128xf32, #tpu.memory_space<vmem>>) target(%dma_start3A_164 : memref<80x128xf32, #tpu.memory_space<hbm>>) target_semaphore(%arg23 : memref<!tpu.dma_semaphore, #tpu.memory_space<semaphore_mem>>)
      %dma_wait3A_165 = tpu.memref_slice %arg8[%add3A_110] : memref<10000xi32, #tpu.memory_space<vmem>> -> memref<80xi32, #tpu.memory_space<vmem>>
      %dma_wait3A_166 = arith.constant 0 : i32
      %dma_wait3A_167 = arith.constant 0 : i32
      %dma_wait3A_168 = tpu.memref_slice %arg3[%dma_wait3A_166, %dma_wait3A_167] : memref<8000x128xf32, #tpu.memory_space<hbm>> -> memref<8000x128xf32, #tpu.memory_space<hbm>>
      tpu.wait_indirect_dma semaphore(%arg19 : memref<!tpu.dma_semaphore, #tpu.memory_space<semaphore_mem>>) src(%dma_wait3A_168 : memref<8000x128xf32, #tpu.memory_space<hbm>>) dst(%arg13 : memref<80x128xf32, #tpu.memory_space<vmem>>)
      %add3A_169 = arith.addi %mul3A_2, %multiple_of3A : i32
      %add3A_170 = arith.constant 320 : i32
      %add3A_171 = arith.addi %add3A_169, %add3A_170 : i32
      %dma_start3A_172 = arith.constant 0 : i32
      %dma_start3A_173 = tpu.memref_slice %arg4[%add3A_171, %dma_start3A_172] : memref<320000x128xf32, #tpu.memory_space<hbm>> -> memref<80x128xf32, #tpu.memory_space<hbm>>
      %dma_start3A_174 = arith.constant 0 : i32
      %dma_start3A_175 = tpu.memref_slice %arg4[%add3A_171, %dma_start3A_174] : memref<320000x128xf32, #tpu.memory_space<hbm>> -> memref<80x128xf32, #tpu.memory_space<hbm>>
      tpu.enqueue_dma source(%arg13 : memref<80x128xf32, #tpu.memory_space<vmem>>) target(%dma_start3A_175 : memref<80x128xf32, #tpu.memory_space<hbm>>) target_semaphore(%arg24 : memref<!tpu.dma_semaphore, #tpu.memory_space<semaphore_mem>>)
    }
    %scan3A_29 = arith.constant 25 : i32
    %dma_wait3A_30 = arith.constant 0 : i32
    %dma_wait3A_31 = arith.constant 0 : i32
    %dma_wait3A_32 = tpu.memref_slice %arg4[%dma_wait3A_30, %dma_wait3A_31] : memref<320000x128xf32, #tpu.memory_space<hbm>> -> memref<80x128xf32, #tpu.memory_space<hbm>>
    %dma_wait3A_33 = arith.constant 0 : i32
    %dma_wait3A_34 = arith.constant 0 : i32
    %dma_wait3A_35 = tpu.memref_slice %arg4[%dma_wait3A_33, %dma_wait3A_34] : memref<320000x128xf32, #tpu.memory_space<hbm>> -> memref<80x128xf32, #tpu.memory_space<hbm>>
    tpu.wait_dma2 semaphore(%arg20 : memref<!tpu.dma_semaphore, #tpu.memory_space<semaphore_mem>>) src(%arg9 : memref<80x128xf32, #tpu.memory_space<vmem>>) dst(%dma_wait3A_35 : memref<80x128xf32, #tpu.memory_space<hbm>>)
    %dma_wait3A_36 = arith.constant 0 : i32
    %dma_wait3A_37 = arith.constant 0 : i32
    %dma_wait3A_38 = tpu.memref_slice %arg4[%dma_wait3A_36, %dma_wait3A_37] : memref<320000x128xf32, #tpu.memory_space<hbm>> -> memref<80x128xf32, #tpu.memory_space<hbm>>
    %dma_wait3A_39 = arith.constant 0 : i32
    %dma_wait3A_40 = arith.constant 0 : i32
    %dma_wait3A_41 = tpu.memref_slice %arg4[%dma_wait3A_39, %dma_wait3A_40] : memref<320000x128xf32, #tpu.memory_space<hbm>> -> memref<80x128xf32, #tpu.memory_space<hbm>>
    tpu.wait_dma2 semaphore(%arg21 : memref<!tpu.dma_semaphore, #tpu.memory_space<semaphore_mem>>) src(%arg10 : memref<80x128xf32, #tpu.memory_space<vmem>>) dst(%dma_wait3A_41 : memref<80x128xf32, #tpu.memory_space<hbm>>)
    %dma_wait3A_42 = arith.constant 0 : i32
    %dma_wait3A_43 = arith.constant 0 : i32
    %dma_wait3A_44 = tpu.memref_slice %arg4[%dma_wait3A_42, %dma_wait3A_43] : memref<320000x128xf32, #tpu.memory_space<hbm>> -> memref<80x128xf32, #tpu.memory_space<hbm>>
    %dma_wait3A_45 = arith.constant 0 : i32
    %dma_wait3A_46 = arith.constant 0 : i32
    %dma_wait3A_47 = tpu.memref_slice %arg4[%dma_wait3A_45, %dma_wait3A_46] : memref<320000x128xf32, #tpu.memory_space<hbm>> -> memref<80x128xf32, #tpu.memory_space<hbm>>
    tpu.wait_dma2 semaphore(%arg22 : memref<!tpu.dma_semaphore, #tpu.memory_space<semaphore_mem>>) src(%arg11 : memref<80x128xf32, #tpu.memory_space<vmem>>) dst(%dma_wait3A_47 : memref<80x128xf32, #tpu.memory_space<hbm>>)
    %dma_wait3A_48 = arith.constant 0 : i32
    %dma_wait3A_49 = arith.constant 0 : i32
    %dma_wait3A_50 = tpu.memref_slice %arg4[%dma_wait3A_48, %dma_wait3A_49] : memref<320000x128xf32, #tpu.memory_space<hbm>> -> memref<80x128xf32, #tpu.memory_space<hbm>>
    %dma_wait3A_51 = arith.constant 0 : i32
    %dma_wait3A_52 = arith.constant 0 : i32
    %dma_wait3A_53 = tpu.memref_slice %arg4[%dma_wait3A_51, %dma_wait3A_52] : memref<320000x128xf32, #tpu.memory_space<hbm>> -> memref<80x128xf32, #tpu.memory_space<hbm>>
    tpu.wait_dma2 semaphore(%arg23 : memref<!tpu.dma_semaphore, #tpu.memory_space<semaphore_mem>>) src(%arg12 : memref<80x128xf32, #tpu.memory_space<vmem>>) dst(%dma_wait3A_53 : memref<80x128xf32, #tpu.memory_space<hbm>>)
    %dma_wait3A_54 = arith.constant 0 : i32
    %dma_wait3A_55 = arith.constant 0 : i32
    %dma_wait3A_56 = tpu.memref_slice %arg4[%dma_wait3A_54, %dma_wait3A_55] : memref<320000x128xf32, #tpu.memory_space<hbm>> -> memref<80x128xf32, #tpu.memory_space<hbm>>
    %dma_wait3A_57 = arith.constant 0 : i32
    %dma_wait3A_58 = arith.constant 0 : i32
    %dma_wait3A_59 = tpu.memref_slice %arg4[%dma_wait3A_57, %dma_wait3A_58] : memref<320000x128xf32, #tpu.memory_space<hbm>> -> memref<80x128xf32, #tpu.memory_space<hbm>>
    tpu.wait_dma2 semaphore(%arg24 : memref<!tpu.dma_semaphore, #tpu.memory_space<semaphore_mem>>) src(%arg13 : memref<80x128xf32, #tpu.memory_space<vmem>>) dst(%dma_wait3A_59 : memref<80x128xf32, #tpu.memory_space<hbm>>)
    return
  }
}

module attributes {stable_mosaic.version = 14 : i64} {
  func.func @_combos_body(%arg0: memref<20x128xf32, #tpu.memory_space<vmem>>, %arg1: memref<20x128xf32, #tpu.memory_space<vmem>>, %arg2: memref<20x128xf32, #tpu.memory_space<vmem>>, %arg3: memref<8000x128xf32, #tpu.memory_space<vmem>>) attributes {dimension_semantics = [], scalar_prefetch = 0 : i64, scratch_operands = 0 : i64, tpu.core_type = #tpu.core_type<tc>} {
    %get3A = arith.constant 0 : index
    %get3A_0 = arith.constant 0 : index
    %get3A_1 = vector.load %arg0[%get3A, %get3A_0] : memref<20x128xf32, #tpu.memory_space<vmem>>, vector<20x128xf32>
    %broadcast_in_dim3A = vector.shape_cast %get3A_1 : vector<20x128xf32> to vector<20x1x1x128xf32>
    %get3A_2 = arith.constant 0 : index
    %get3A_3 = arith.constant 0 : index
    %get3A_4 = vector.load %arg1[%get3A_2, %get3A_3] : memref<20x128xf32, #tpu.memory_space<vmem>>, vector<20x128xf32>
    %broadcast_in_dim3A_5 = vector.shape_cast %get3A_4 : vector<20x128xf32> to vector<1x20x1x128xf32>
    %add3A = vector.broadcast %broadcast_in_dim3A : vector<20x1x1x128xf32> to vector<20x20x1x128xf32>
    %add3A_6 = vector.broadcast %broadcast_in_dim3A_5 : vector<1x20x1x128xf32> to vector<20x20x1x128xf32>
    %add3A_7 = arith.addf %add3A, %add3A_6 : vector<20x20x1x128xf32>
    %get3A_8 = arith.constant 0 : index
    %get3A_9 = arith.constant 0 : index
    %get3A_10 = vector.load %arg2[%get3A_8, %get3A_9] : memref<20x128xf32, #tpu.memory_space<vmem>>, vector<20x128xf32>
    %broadcast_in_dim3A_11 = vector.shape_cast %get3A_10 : vector<20x128xf32> to vector<1x1x20x128xf32>
    %add3A_12 = vector.broadcast %add3A_7 : vector<20x20x1x128xf32> to vector<20x20x20x128xf32>
    %add3A_13 = vector.broadcast %broadcast_in_dim3A_11 : vector<1x1x20x128xf32> to vector<20x20x20x128xf32>
    %add3A_14 = arith.addf %add3A_12, %add3A_13 : vector<20x20x20x128xf32>
    %reshape3A = vector.shape_cast %add3A_14 : vector<20x20x20x128xf32> to vector<8000x128xf32>
    %swap3A = arith.constant 0 : index
    %swap3A_15 = arith.constant 0 : index
    %swap3A_16 = vector.load %arg3[%swap3A, %swap3A_15] : memref<8000x128xf32, #tpu.memory_space<vmem>>, vector<8000x128xf32>
    tpu.vector_store %arg3[%swap3A, %swap3A_15], %reshape3A {strides = array<i32>} : memref<8000x128xf32, #tpu.memory_space<vmem>>, vector<8000x128xf32>,
    return
  }
}

</mosaic_0001>

<sc_bundles>
// kernel: kernel.4.cloned.1.call-start
scs
__scs_entry_jumppad:
0x0: {  	(pc) =	sbr.rel $0x88, $3  }
0x1: {  	(tag) =	ssettag $0x0;
	lr =	simm.s32 $0x1  }
0x2: {  	[smem:$0x3F9D] =	sst lr;
	_ =	strace $0xD0000000  }
0x3: {  	_ = 	snop  }
0x4: {  	_ = 	snop  }
0x5: {  	_ = 	snop  }
0x6: {  	_ = 	snop  }
0x7: {  	_ = 	snop  }
__scs_overlays_trampoline_lowered:
0x8: {  	[smem:$0x3FAC] =	sst s0  }
0x9: {  	[smem:$0x3FAD] =	sst s1  }
0xa: {  	[smem:$0x3FAE] =	sst s2  }
0xb: {  	[smem:$0x3FAF] =	sst s3  }
0xc: {  	[smem:$0x3FB0] =	sst s4  }
0xd: {  	[smem:$0x3FB1] =	sst s5  }
0xe: {  	[smem:$0x3FB2] =	sst s6  }
0xf: {  	[smem:$0x3FB3] =	sst s7  }
0x10: {  	[smem:$0x3FB4] =	sst s8  }
0x11: {  	[smem:$0x3FB5] =	sst s9;
	s0 =	simm.s32 @!p0 $0x0  }
0x12: {  	s1 =	sld [smem:$0x3F9B];
	s0 =	simm.s32 @p0 $0x1  }
0x13: {  	[smem:$0x3FB6] =	sst s0;
	s0 =	simm.s32 @!p1 $0x0  }
0x14: {  	s2 =	sld [smem:$0x3F9A];
	s0 =	simm.s32 @p1 $0x1  }
0x15: {  	[smem:$0x3FB7] =	sst s0;
	s0 =	simm.s32 @!p2 $0x0  }
0x16: {  	s3 =	sld [smem:$0x3FDB];
	s0 =	simm.s32 @p2 $0x1  }
0x17: {  	s4 =	simm.s32 $0x1BF5;
	[smem:$0x3FB9] =	sst s0  }
0x18: {  	s0 =	sld [smem:$0x3F9C];
	_ =	swait.ge [sflag:s4], $0x0  }
0x19: {  	s7 =	sld [smem:$0x3F9D]  }
0x1a: {  	s8 =	sadd.s32 $0xFFFFE003, lr  }
0x1b: {  	s9 =	sadd.s32 $0xFFFFFEF7, lr;
	s5 =	simm.s32 $0xFFFFFFFF;
	p2 =	slt.u32 s8, $0xFFFFF086  }
0x1c: {  	p1 =	slt.u32 s9, $0xF7A;
	s5 =	simm.s32 @!p2 $0x0  }
0x1d: {  	s5 =	simm.s32 @p1 $0x1;
	p0 =	seq.s32 s7, s2  }
0x1e: {  	s7 =	smul.u32 @!p0 $0xF7A, s2;
	p2 =	seq.s32 @!p0 s5, $0x0  }
0x1f: {  	s9 =	smul.u32 $0xF7A, s1;
	s8 =	simm.s32 @!p0 $0x1BF5;
	p2 =	por !p2, p0  }
0x20: {  	[sflag:s8] =	ssyncset.s32 @!p0 $0xFFFFF086;
	s6 =	sadd.s32 @!p0 s3, s7;
	s7 =	simm.s32 @!p0 $0x108  }
0x21: {  	s3 =	sadd.s32 s3, s9;
	s6 =	sadd.s32 @!p0 $0x88, s6;
	s7 =	simm.s32 @p2 $0x1082  }
0x22: {  	[simem:s7], [sflag:s8] =	dma.local @!p0 [hbm:s6], $0xF7A  }
0x23: {  	s9 =	sor.u32 $0xD0000000, s2;
	s6 =	simm.s32 $0x108;
	_ =	swait.ge @!p0 [sflag:s8], $0x0  }
0x24: {  	s3 =	sadd.s32 $0x88, s3;
	s6 =	simm.s32 @!p1 $0x1082;
	[sflag:s4] =	ssyncset.s32 $0xFFFFF086  }
0x25: {  	[simem:s6], [sflag:s4] =	dma.local [hbm:s3], $0xF7A  }
0x26: {  	[smem:$0x3F9D] =	sst s1;
	(tag) =	ssettag s2;
	_ =	strace s9  }
0x27: {  	s1 =	sld [smem:$0x3FAD]  }
0x28: {  	s2 =	sld [smem:$0x3FAE]  }
0x29: {  	s4 =	sld [smem:$0x3FB0]  }
0x2a: {  	p0 =	seq.s32 s5, $0x0;
	s5 =	sld [smem:$0x3FB1]  }
0x2b: {  	s6 =	sld [smem:$0x3FB2]  }
0x2c: {  	s7 =	sld [smem:$0x3FB3]  }
0x2d: {  	s3 =	simm.s32 $0x108;
	s8 =	sld [smem:$0x3FB4]  }
0x2e: {  	s3 =	simm.s32 @!p0 $0x1082;
	s9 =	sld [smem:$0x3FB5]  }
0x2f: {  	lr =	sadd.s32 s0, s3;
	s0 =	sld [smem:$0x3FAC]  }
0x30: {  	s3 =	sld [smem:$0x3FAF]  }
0x31: {  	[smem:$0x3FB8] =	sst s10  }
0x32: {  	s10 =	sld [smem:$0x3FB6];
	_ =	sdelay $0x3  }
0x33: {  	p0 =	seq.s32 s10, $0x1;
	s10 =	sld [smem:$0x3FB8];
	_ =	sdelay $0x3  }
0x34: {  	[smem:$0x3FB8] =	sst s10  }
0x35: {  	s10 =	sld [smem:$0x3FB7];
	_ =	sdelay $0x3  }
0x36: {  	p1 =	seq.s32 s10, $0x1;
	s10 =	sld [smem:$0x3FB8];
	_ =	sdelay $0x3  }
0x37: {  	[smem:$0x3FB8] =	sst s10  }
0x38: {  	s10 =	sld [smem:$0x3FB9]  }
0x39: {  	_ = 	snop;
	(pc) =	sbr.ind lr, $3  }
0x3a: {  	_ = 	snop  }
0x3b: {  	_ = 	snop  }
0x3c: {  	p2 =	seq.s32 s10, $0x1;
	s10 =	sld [smem:$0x3FB8]  }
0x3d: {  	_ =	shalt  }
0x3e: {  	_ =	shalt  }
0x3f: {  	_ =	shalt  }
0x40: {  	_ =	shalt  }
0x41: {  	_ =	shalt  }
0x42: {  	_ =	shalt  }
0x43: {  	_ =	shalt  }
0x44: {  	_ =	shalt  }
0x45: {  	_ =	shalt  }
0x46: {  	_ =	shalt  }
0x47: {  	_ =	shalt  }
0x48: {  	_ =	shalt  }
0x49: {  	_ =	shalt  }
0x4a: {  	_ =	shalt  }
0x4b: {  	_ =	shalt  }
0x4c: {  	_ =	shalt  }
0x4d: {  	_ =	shalt  }
0x4e: {  	_ =	shalt  }
0x4f: {  	_ =	shalt  }
0x50: {  	_ =	shalt  }
0x51: {  	_ =	shalt  }
0x52: {  	_ =	shalt  }
0x53: {  	_ =	shalt  }
0x54: {  	_ =	shalt  }
0x55: {  	_ =	shalt  }
0x56: {  	_ =	shalt  }
0x57: {  	_ =	shalt  }
0x58: {  	_ =	shalt  }
0x59: {  	_ =	shalt  }
0x5a: {  	_ =	shalt  }
0x5b: {  	_ =	shalt  }
0x5c: {  	_ =	shalt  }
0x5d: {  	_ =	shalt  }
0x5e: {  	_ =	shalt  }
0x5f: {  	_ =	shalt  }
0x60: {  	_ =	shalt  }
0x61: {  	_ =	shalt  }
0x62: {  	_ =	shalt  }
0x63: {  	_ =	shalt  }
0x64: {  	_ =	shalt  }
0x65: {  	_ =	shalt  }
0x66: {  	_ =	shalt  }
0x67: {  	_ =	shalt  }
0x68: {  	_ =	shalt  }
0x69: {  	_ =	shalt  }
0x6a: {  	_ =	shalt  }
0x6b: {  	_ =	shalt  }
0x6c: {  	_ =	shalt  }
0x6d: {  	_ =	shalt  }
0x6e: {  	_ =	shalt  }
0x6f: {  	_ =	shalt  }
0x70: {  	_ =	shalt  }
0x71: {  	_ =	shalt  }
0x72: {  	_ =	shalt  }
0x73: {  	_ =	shalt  }
0x74: {  	_ =	shalt  }
0x75: {  	_ =	shalt  }
0x76: {  	_ =	shalt  }
0x77: {  	_ =	shalt  }
0x78: {  	_ =	shalt  }
0x79: {  	_ =	shalt  }
0x7a: {  	_ =	shalt  }
0x7b: {  	_ =	shalt  }
0x7c: {  	_ =	shalt  }
0x7d: {  	_ =	shalt  }
0x7e: {  	_ =	shalt  }
0x7f: {  	_ =	shalt  }
0x80: {  	_ =	shalt  }
0x81: {  	_ =	shalt  }
0x82: {  	_ =	shalt  }
0x83: {  	_ =	shalt  }
0x84: {  	_ =	shalt  }
0x85: {  	_ =	shalt  }
0x86: {  	_ =	shalt  }
0x87: {  	_ =	shalt  }
.Lfunc_end0:
.L_simem_size_0:
called_computation_lowered:
.L_overlay_start_0:
0x88: {  	s2 =	sld [smem:$0x3FD9]  }
0x89: {  	s3 =	sld [smem:$0x3FFE];
	_ =	sdelay $0x1  }
0x8a: {  	s1 =	srdreg.scid  }
0x8b: {  	s0 =	sand.u32 $0x1, s1  }
0x8c: {  	s17 =	sshll.u32 s0, $0xA;
	s2 =	sadd.s32 s3, s2  }
0x8d: {  	s2 =	sadd.s32 s2, s17  }
0x8e: {  	[smem:$0x3FC4] =	sst s2  }
0x8f: {  	_ = 	snop  }
0x90: {  	s2 =	sld [smem:$0x3FD0];
	(tm) =	ssettm $0x1  }
0x91: {  	s18 =	sld [smem:$0x3FFB];
	_ =	sdelay $0x3  }
0x92: {  	_ =	strace s18  }
0x93: {  	s3 =	sld [smem:$0x3FFC];
	_ =	sdelay $0x3  }
0x94: {  	_ =	strace s3  }
0x95: {  	s3 =	sld [smem:$0x3FFD];
	_ =	sdelay $0x3  }
0x96: {  	_ =	strace s3  }
0x97: {  	_ =	strace $0x8FFFFFFF  }
0x98: {  	s19 =	sld [smem:$0x3FDB];
	_ =	sdelay $0x1  }
0x99: {  	s4 =	simm.s32 $_scs_section_size  }
0x9a: {  	s5 =	simm.s32 $_size__tile_overlayer_lowered;
	s6 =	simm.s32 $_tile_overlayer_lowered  }
0x9b: {  	s22 =	simm.s32 $0x1BFF;
	s21 =	sshll.u32 s6, $0x1;
	s3 =	sadd.s32 s4, s19  }
0x9c: {  	s7 =	simm.s32 $0x0;
	s20 =	sshll.u32 s5, $0x1;
	s5 =	sadd.s32 s21, s3  }
0x9d: {  	[timem:s7], [sflag:s22] =	dma.local [hbm:s5], s20  }
0x9e: {  	_ =	swait.ge [sflag:s22], s20  }
0x9f: {  	s4 =	ssub.s32 $0x0, s20;
	[sflag:s22] =	ssyncset.done $0x0  }
0xa0: {  	[sflag:s22] =	ssyncadd.s32 s4;
	_ =	sdelay $0x1  }
0xa1: {  	s23 =	simm.s32 $0x1B8B  }
0xa2: {  	_ =	swait.ge [sflag:s23], $0x1  }
0xa3: {  	[sflag:s23] =	ssyncset.done $0x0  }
0xa4: {  	s25 =	simm.s32 $0x1B8E;
	s24 =	sld [smem:$0x3FFE];
	[sflag:s23] =	ssyncadd.s32 $0xFFFFFFFF  }
0xa5: {  	s26 =	simm.s32 $execute0_lowered;
	[smem:$0x3FD2] =	sst s25  }
0xa6: {  	s5 =	sshll.u32 s26, $0x1;
	_ =	strace $0x80000046;
	[dreg:$0x1] =	wrdreg $0xFFFFFFFF  }
0xa7: {  	s28 =	simm.s32 $_size_execute0_lowered;
	s3 =	sadd.s32 s3, s5;
	[dreg:$0x0] =	wrdreg $0x0  }
0xa8: {  	s5 =	sshll.u32 s28, $0x1;
	[dreg:$0x2] =	wrdreg s3  }
0xa9: {  	[dreg:$0x3] =	wrdreg s5  }
0xaa: {  	[dreg:$0x4] =	wrdreg $0xC0  }
0xab: {  	_ =	task [dreg:s7], $0x5FFFF  }
0xac: {  	[dreg:$0x1] =	wrdreg $0xFFFFFFFF  }
0xad: {  	[dreg:$0x0] =	wrdreg $0x60  }
0xae: {  	[dreg:$0x2] =	wrdreg s24  }
0xaf: {  	[dreg:$0x3] =	wrdreg s2  }
0xb0: {  	[dreg:$0x4] =	wrdreg $0x9  }
0xb1: {  	_ =	task.clear_ibuf [dreg:s7], $0x5FFFF;
	_ =	strace $0x90000046  }
0xb2: {  	s29 =	simm.s32 $0x9;
	_ =	strace $0x80000048  }
0xb3: {  	_ =	swait.ge [sflag:s29], $0x1  }
0xb4: {  	[sflag:s29] =	ssyncadd.s32 $0xFFFFFFFF  }
0xb5: {  	_ =	strace $0x90000048  }
0xb6: {  	_ =	sfence  }
0xb7: {  	s30 =	sld [smem:$0x0];
	_ =	sdelay $0x2  }
0xb8: {  	s31 =	sshll.u32 s1, $0xD;
	s1 =	sshrl.u32 s1, $0x2  }
0xb9: {  	s3 =	sand.u32 $0x4000, s31;
	s1 =	sadd.s32 s1, s30  }
0xba: {  	s0 =	sor.u32 s3, s0;
	s1 =	sshll.u32 s1, $0x11  }
0xbb: {  	s0 =	sor.u32 s1, s0  }
0xbc: {  	s0 =	sadd.s32 $0x8F2B, s0  }
0xbd: {  	[sflag:s0] =	ssyncadd.remote.s32 $0x1  }
0xbe: {  	_ =	sfence.sel $0xFFFF  }
0xbf: {  	[dreg:$0x0] =	wrdreg $0xFFFFFFFF;
	(pc) =	sbr.abs _section_cstart, $3  }
0xc0: {  	[dreg:$0x1] =	wrdreg $0xFFFFFFFF  }
0xc1: {  	_ =	task.clear_ibuf [dreg:s7], $0x2FFFF;
	_ =	strace $0x9FFFFFFF  }
0xc2: {  	(tm) =	ssettm $0x7FFFFFFF  }
0xc3: {  	_ =	shalt  }
tec
execute0_lowered:
.L_overlay_start_1:
0x0: {  	(tag) =	ssettag $0x1  }
0x1: {  	s0 =	srdreg.scid;
	s5 =	rddreg [dreg:$0x0]  }
0x2: {  	s1 =	stileid.u32;
	s2 =	rddreg [dreg:$0x1];
	s4 =	simm.s32 $0x0  }
0x3: {  	s17 =	simm.s32 $0x50;
	s18 =	simm.s32 $0x9E00;
	s19 =	simm.s32 $0xC600  }
0x4: {  	s20 =	simm.s32 $0xEE00;
	s21 =	simm.s32 $0x11600;
	s22 =	simm.s32 $0x13E00  }
0x5: {  	s23 =	simm.s32 $0x2;
	s24 =	simm.s32 $0x3;
	s28 =	simm.s32 $0x6  }
0x6: {  	s29 =	simm.s32 $0x7;
	s0 =	sand.u32 $0x1, s0;
	s1 =	sshll.u32 s1, $0x1  }
0x7: {  	s30 =	simm.s32 $0x8;
	s31 =	simm.s32 $0x9;
	s1 =	sor.u32 s0, s1  }
0x8: {  	s14 =	simm.s32 $0x0;
	s0 =	ssub.s32 $0x2, s0;
	s3 =	smul.u32 $0x2710, s1  }
0x9: {  	[smem:$0x7FF] =	sst s4;
	s9 =	sadd.s32 $0x500, s2;
	s6 =	sshrl.u32 s0, $0x1  }
0xa: {  	s10 =	sadd.s32 $0xA00, s2;
	s0 =	ssub.s32 s0, s6;
	s1 =	sshrl.u32 s3, $0x3  }
0xb: {  	_ =	strace $0x80000047;
	s0 =	smax.u32 s0, $0x1;
	s1 =	sadd.s32 s1, s5  }
.Ltmp0:
0xc: {  	[dreg:$0x6] =	wrdreg s0;
	s25 =	sadd.s32 $0xC00, s1;
	(pc) =	sbr.rel .LBB2_1-.Ltmp0, $4  }
0xd: {  	s11 =	sadd.s32 $0xF00, s2;
	s26 =	sadd.s32 $0xA840, s1;
	[dreg:$0x3] =	wrdreg s25  }
0xe: {  	s12 =	sadd.s32 $0x1400, s2;
	s1 =	sadd.s32 $0x14480, s1;
	[dreg:$0x4] =	wrdreg s26  }
0xf: {  	s5 =	sadd.s32 $0x1E200, s5;
	s0 =	simm.s32 $0xB;
	[dreg:$0x5] =	wrdreg s1  }
0x10: {  	s25 =	simm.s32 $0x4;
	s26 =	simm.s32 $0x5;
	s1 =	simm.s32 $0xA  }
.LBB2_13:
0x11: {  	_ =	swait.ge [sflag:s29], $0x2800  }
0x12: {  	[sflag:s29] =	ssyncset.done $0x0  }
0x13: {  	[sflag:s29] =	ssyncadd.s32 $0xFFFFD800  }
0x14: {  	_ =	swait.ge [sflag:s30], $0x2800  }
0x15: {  	[sflag:s30] =	ssyncset.done $0x0  }
0x16: {  	[sflag:s30] =	ssyncadd.s32 $0xFFFFD800  }
0x17: {  	_ =	swait.ge [sflag:s31], $0x2800  }
0x18: {  	[sflag:s31] =	ssyncset.done $0x0  }
0x19: {  	[sflag:s31] =	ssyncadd.s32 $0xFFFFD800  }
0x1a: {  	_ =	swait.ge [sflag:s1], $0x2800  }
0x1b: {  	[sflag:s1] =	ssyncset.done $0x0  }
0x1c: {  	[sflag:s1] =	ssyncadd.s32 $0xFFFFD800  }
0x1d: {  	_ =	swait.ge [sflag:s0], $0x2800  }
0x1e: {  	s14 =	sadd.s32 $0x1, s14;
	s6 =	rddreg [dreg:$0x6]  }
0x1f: {  	p0 =	sne.s32 s14, s6  }
.Ltmp1:
0x20: {  	_ = 	snop;
	(pc) =	sbr.rel @!p0 .LBB2_14-.Ltmp1, $3  }
0x21: {  	_ =	sdelay $0x1  }
0x22: {  	[sflag:s0] =	ssyncset.done $0x0  }
0x23: {  	[sflag:s0] =	ssyncadd.s32 $0xFFFFD800  }
.LBB2_1:
0x24: {  	s6 =	rddreg [dreg:$0x3]  }
0x25: {  	[tilespmem:s4], [sflag:$0x1] =	stream.linear.gather [hbm4b:s6+s4], $0x2710, $0x38;
	[tilespmem:$0x16600] =	vst v63  }
0x26: {  	s8 =	rddreg [dreg:$0x4];
	s7 =	simm.s32 $0x2780  }
0x27: {  	[tilespmem:s7], [sflag:$0x1] =	stream.linear.gather [hbm4b:s8+s4], $0x2710, $0x38;
	[tilespmem:$0x16600] =	vst v63  }
0x28: {  	s13 =	rddreg [dreg:$0x5];
	s15 =	simm.s32 $0x4F00;
	s16 =	simm.s32 $0x1  }
0x29: {  	[tilespmem:s15], [sflag:$0x1] =	stream.linear.gather [hbm4b:s13+s4], $0x2710, $0x38;
	[tilespmem:$0x16600] =	vst v63  }
0x2a: {  	_ =	swait.ge [sflag:s16], $0x2710  }
0x2b: {  	[sflag:s16] =	ssyncset.done $0x0  }
0x2c: {  	[sflag:s16] =	ssyncadd.s32 $0xFFFFD8F0  }
0x2d: {  	_ =	swait.ge [sflag:s16], $0x2710  }
0x2e: {  	[sflag:s16] =	ssyncset.done $0x0  }
0x2f: {  	[sflag:s16] =	ssyncadd.s32 $0xFFFFD8F0  }
0x30: {  	_ =	swait.ge [sflag:s16], $0x2710  }
0x31: {  	[sflag:s16] =	ssyncset.done $0x0  }
0x32: {  	s6 =	simm.s32 $0x0;
	[sflag:s16] =	ssyncadd.s32 $0xFFFFD8F0  }
0x33: {  	v0 =	vld [tilespmem:s6+$0x0]  }
0x34: {  	v1 =	vld [tilespmem:s6+$0x2780];
	_ =	sdelay $0x2  }
0x35: {  	s7 =	simm.s32 $0x40;
	v2 =	vld [tilespmem:s6+$0x4F00]  }
.LBB2_2:
0x36: {  	s8 =	sshra.s32 s7, $0x2;
	p0 =	sne.s32 s7, $0x600  }
.Ltmp2:
0x37: {  	s7 =	sadd.s32 $0x40, s7;
	v3 =	vmul.u32 $0x190, v0;
	v0 =	vld [tilespmem:s8+$0x0];
	v4 =	vmul.u32 $0x14, v1;
	(pc) =	sbr.rel @p0 .LBB2_2-.Ltmp2, $4  }
0x38: {  	v1 =	vld [tilespmem:s8+$0x2780]  }
0x39: {  	v3 =	vadd.s32 v3, v4  }
0x3a: {  	v3 =	vadd.s32 v2, v3  }
0x3b: {  	v2 =	vld [tilespmem:s8+$0x4F00];
	[tilespmem:s6+$0x7680] =	vst v3;
	s6 =	smov.u32 s8  }
0x3c: {  	_ = 	snop  }
.Ltmp3:
0x3d: {  	v0 =	vmul.u32 $0x190, v0;
	v1 =	vmul.u32 $0x14, v1;
	(pc) =	sbr.rel .LBB2_4-.Ltmp3, $4  }
0x3e: {  	_ = 	snop  }
0x3f: {  	v0 =	vadd.s32 v0, v1  }
0x40: {  	v0 =	vadd.s32 v2, v0  }
0x41: {  	[tilespmem:s6+$0x7680] =	vst v0;
	s6 =	simm.s32 $0x0  }
.LBB2_12:
0x42: {  	_ =	swait.ge [sflag:s23], $0x2800;
	s6 =	sadd.s32 s3, s15  }
0x43: {  	[sflag:s23] =	ssyncset.done $0x0;
	s6 =	sshll.u32 s6, $0x4  }
0x44: {  	[sflag:s23] =	ssyncadd.s32 $0xFFFFD800;
	s8 =	sadd.s32 s2, s6  }
0x45: {  	[hbm4b:s8+s4] =	stream.linear.scatter [tilespmem:s18], [sflag:$0x7], $0x2800, $0x38;
	[tilespmem:$0x16600] =	vst v63  }
0x46: {  	_ =	swait.ge [sflag:s24], $0x2800  }
0x47: {  	[sflag:s24] =	ssyncset.done $0x0  }
0x48: {  	s13 =	sadd.s32 s6, s9;
	[sflag:s24] =	ssyncadd.s32 $0xFFFFD800  }
0x49: {  	[hbm4b:s13+s4] =	stream.linear.scatter [tilespmem:s19], [sflag:$0x8], $0x2800, $0x38;
	[tilespmem:$0x16600] =	vst v63  }
0x4a: {  	_ =	swait.ge [sflag:s25], $0x2800  }
0x4b: {  	[sflag:s25] =	ssyncset.done $0x0  }
0x4c: {  	s15 =	sadd.s32 s6, s10;
	[sflag:s25] =	ssyncadd.s32 $0xFFFFD800  }
0x4d: {  	[hbm4b:s15+s4] =	stream.linear.scatter [tilespmem:s20], [sflag:$0x9], $0x2800, $0x38;
	[tilespmem:$0x16600] =	vst v63  }
0x4e: {  	_ =	swait.ge [sflag:s26], $0x2800  }
0x4f: {  	[sflag:s26] =	ssyncset.done $0x0  }
0x50: {  	p0 =	slt.u32 s7, $0x19;
	s16 =	sadd.s32 s6, s11;
	[sflag:s26] =	ssyncadd.s32 $0xFFFFD800  }
0x51: {  	[hbm4b:s16+s4] =	stream.linear.scatter [tilespmem:s21], [sflag:$0xA], $0x2800, $0x38;
	[tilespmem:$0x16600] =	vst v63  }
.Ltmp4:
0x52: {  	_ =	swait.ge [sflag:s28], $0x2800;
	(pc) =	sbr.rel @!p0 .LBB2_13-.Ltmp4, $4  }
0x53: {  	[sflag:s28] =	ssyncset.done $0x0  }
0x54: {  	s6 =	sadd.s32 s6, s12;
	[sflag:s28] =	ssyncadd.s32 $0xFFFFD800  }
0x55: {  	[hbm4b:s6+s4] =	stream.linear.scatter [tilespmem:s22], [sflag:$0xB], $0x2800, $0x38;
	[tilespmem:$0x16600] =	vst v63  }
0x56: {  	s6 =	smov.u32 s7  }
.LBB2_4:
0x57: {  	p0 =	sne.s32 s6, $0x0  }
.Ltmp5:
0x58: {  	_ = 	snop;
	(pc) =	sbr.rel @!p0 .LBB2_5-.Ltmp5, $3  }
0x59: {  	_ = 	snop  }
0x5a: {  	s15 =	smul.u32 $0x190, s6;
	_ =	sdelay $0x1  }
0x5b: {  	s13 =	sadd.s32 $0x7680, s15;
	s8 =	sadd.s32 $0x76D0, s15;
	s7 =	sadd.s32 $0x7720, s15  }
0x5c: {  	_ =	swait.ge [sflag:s29], $0x2800  }
0x5d: {  	[sflag:s29] =	ssyncset.done $0x0  }
0x5e: {  	[sflag:s29] =	ssyncadd.s32 $0xFFFFD800  }
0x5f: {  	[tilespmem:s18], [sflag:$0x2] =	stream.indirect.gather [hbm4b:s5+s17], $0x80, s13, s17, $0xb8;
	[tilespmem:$0x16600] =	vst v63  }
0x60: {  	_ =	swait.ge [sflag:s30], $0x2800  }
0x61: {  	[sflag:s30] =	ssyncset.done $0x0  }
0x62: {  	[sflag:s30] =	ssyncadd.s32 $0xFFFFD800  }
0x63: {  	[tilespmem:s19], [sflag:$0x3] =	stream.indirect.gather [hbm4b:s5+s17], $0x80, s8, s17, $0xb8;
	[tilespmem:$0x16600] =	vst v63  }
0x64: {  	_ =	swait.ge [sflag:s31], $0x2800  }
0x65: {  	[sflag:s31] =	ssyncset.done $0x0  }
0x66: {  	[sflag:s31] =	ssyncadd.s32 $0xFFFFD800  }
0x67: {  	[tilespmem:s20], [sflag:$0x4] =	stream.indirect.gather [hbm4b:s5+s17], $0x80, s7, s17, $0xb8;
	[tilespmem:$0x16600] =	vst v63  }
0x68: {  	_ =	swait.ge [sflag:s1], $0x2800  }
0x69: {  	[sflag:s1] =	ssyncset.done $0x0  }
0x6a: {  	p0 =	seq.s32 s6, $0x18;
	s13 =	sadd.s32 $0x7770, s15;
	[sflag:s1] =	ssyncadd.s32 $0xFFFFD800  }
0x6b: {  	[tilespmem:s21], [sflag:$0x5] =	stream.indirect.gather [hbm4b:s5+s17], $0x80, s13, s17, $0xb8;
	[tilespmem:$0x16600] =	vst v63  }
.Ltmp6:
0x6c: {  	_ = 	snop;
	(pc) =	sbr.rel @p0 .LBB2_12-.Ltmp6, $4  }
0x6d: {  	_ =	swait.ge [sflag:s0], $0x2800  }
0x6e: {  	[sflag:s0] =	ssyncset.done $0x0  }
0x6f: {  	s16 =	sadd.s32 $0x77C0, s15;
	s7 =	simm.s32 $0x19;
	[sflag:s0] =	ssyncadd.s32 $0xFFFFD800  }
0x70: {  	[tilespmem:s22], [sflag:$0x6] =	stream.indirect.gather [hbm4b:s5+s17], $0x80, s16, s17, $0xb8;
	[tilespmem:$0x16600] =	vst v63  }
.Ltmp7:
0x71: {  	(pc) =	sbr.rel .LBB2_8-.Ltmp7, $2  }
0x72: {  	_ =	sdelay $0x2  }
0x73: {  	s7 =	sadd.s32 $0x1, s6  }
.LBB2_5:
0x74: {  	[tilespmem:s18], [sflag:$0x2] =	stream.indirect.gather [hbm4b:s5+s17], $0x80, s13, s17, $0xb8;
	[tilespmem:$0x16600] =	vst v63  }
0x75: {  	_ = 	snop  }
0x76: {  	[tilespmem:s19], [sflag:$0x3] =	stream.indirect.gather [hbm4b:s5+s17], $0x80, s8, s17, $0xb8;
	[tilespmem:$0x16600] =	vst v63  }
0x77: {  	_ = 	snop  }
0x78: {  	[tilespmem:s20], [sflag:$0x4] =	stream.indirect.gather [hbm4b:s5+s17], $0x80, s7, s17, $0xb8;
	[tilespmem:$0x16600] =	vst v63  }
0x79: {  	s13 =	sadd.s32 $0x7770, s15  }
0x7a: {  	[tilespmem:s21], [sflag:$0x5] =	stream.indirect.gather [hbm4b:s5+s17], $0x80, s13, s17, $0xb8;
	[tilespmem:$0x16600] =	vst v63  }
0x7b: {  	s16 =	sadd.s32 $0x77C0, s15;
	s7 =	simm.s32 $0x1  }
0x7c: {  	[tilespmem:s22], [sflag:$0x6] =	stream.indirect.gather [hbm4b:s5+s17], $0x80, s16, s17, $0xb8;
	[tilespmem:$0x16600] =	vst v63  }
.LBB2_8:
0x7d: {  	s8 =	smul.u32 $0x19, s6  }
0x7e: {  	s13 =	smul.u32 $0x19, s7  }
0x7f: {  	s8 =	sadd.s32 $0x32, s8  }
0x80: {  	p0 =	sge.u32 s13, s8  }
.Ltmp8:
0x81: {  	_ = 	snop;
	(pc) =	sbr.rel @p0 .LBB2_12-.Ltmp8, $1  }
0x82: {  	_ =	sdelay $0x3  }
0x83: {  	s6 =	smul.u32 $0x640, s6;
	_ =	sdelay $0x1  }
0x84: {  	s6 =	sshra.s32 s6, $0x2  }
0x85: {  	s8 =	sadd.s32 $0x190, s6  }
0x86: {  	v1 =	vmov s8;
	s8 =	sadd.s32 $0x2910, s6  }
0x87: {  	v2 =	vmov s8;
	_ =	sdelay $0x1  }
0x88: {  	s13 =	sadd.s32 $0x5090, s6  }
0x89: {  	s16 =	sadd.s32 $0x7810, s6;
	s6 =	simm.s32 $0x0;
	v3 =	vmov s13  }
0x8a: {  	v0 =	vmov s16;
	s8 =	simm.s32 $0x40;
	v4 =	vld.idx.msk [tilespmem:v1+s6+$0x0 ss:$0x1], $0xffff  }
.LBB2_10:
0x8b: {  	p0 =	sne.s32 s8, $0x600;
	v5 =	vld.idx.msk [tilespmem:v2+s6+$0x0 ss:$0x1], $0xffff;
	_ =	sdelay $0x2  }
0x8c: {  	v6 =	vld.idx.msk [tilespmem:v3+s6+$0x0 ss:$0x1], $0xffff;
	_ =	sdelay $0x2  }
0x8d: {  	v4 =	vmul.u32 $0x190, v4;
	v5 =	vmul.u32 $0x14, v5  }
.Ltmp9:
0x8e: {  	(pc) =	sbr.rel @p0 .LBB2_10-.Ltmp9, $4  }
0x8f: {  	v4 =	vadd.s32 v4, v5  }
0x90: {  	v4 =	vadd.s32 v6, v4  }
0x91: {  	[tilespmem:v0+s6+$0x0 ss:$0x1] =	vst.idx.msk $0xffff, v4;
	s6 =	sshra.s32 s8, $0x2  }
0x92: {  	s8 =	sadd.s32 $0x40, s8;
	v4 =	vld.idx.msk [tilespmem:v1+s6+$0x0 ss:$0x1], $0xffff  }
0x93: {  	_ =	sdelay $0x3  }
0x94: {  	v1 =	vld.idx.msk [tilespmem:v2+s6+$0x0 ss:$0x1], $0xffff;
	_ =	sdelay $0x2  }
0x95: {  	v62 =	vld.idx.msk [tilespmem:v3+s6+$0x0 ss:$0x1], $0xffff;
	_ =	sdelay $0x1  }
.Ltmp10:
0x96: {  	v63 =	vmul.u32 $0x190, v4;
	v1 =	vmul.u32 $0x14, v1;
	(pc) =	sbr.rel .LBB2_12-.Ltmp10, $4  }
0x97: {  	_ = 	snop  }
0x98: {  	v1 =	vadd.s32 v63, v1  }
0x99: {  	v1 =	vadd.s32 v62, v1  }
0x9a: {  	[tilespmem:v0+s6+$0x0 ss:$0x1] =	vst.idx.msk $0xffff, v1  }
.LBB2_14:
0x9b: {  	_ =	sfence.sel $0x180000  }
0x9c: {  	[bflag:$0x0] =	sbarrier.arrive $0xFFFF  }
0x9d: {  	_ =	strace $0x90000047  }
0x9e: {  	s0 =	stileid.u32;
	[bflag:$0x2] =	sbarrier.arrive $0xFFFF  }
0x9f: {  	p0 =	sne.s32 s0, $0x0;
	s0 =	rddreg [dreg:$0x2]  }
0xa0: {  	s0 =	sadd.s32 @!p0 $0x100000, s0  }
0xa1: {  	[sflag:s0] =	ssyncadd.tile.s32 @!p0 $0x1;
	_ =	shalt  }
.Lfunc_end2:
_tile_overlayer_lowered:
.L_overlay_start_2:
0xa2: {  	(tag) =	ssettag $0x2  }
0xa3: {  	s0 =	rddreg [dreg:$0x0];
	s2 =	stileid.u32  }
0xa4: {  	s1 =	rddreg [dreg:$0x1];
	p0 =	sne.s32 s2, $0x0  }
0xa5: {  	s3 =	rddreg [dreg:$0x2];
	[bflag:$0x3] =	sbarrier.arrive $0xFFFF;
	s2 =	simm.s32 @!p0 $0x1C0C  }
0xa6: {  	[timem:s3], [sflag:s2] =	dma.local @!p0 [hbm:s0], s1  }
0xa7: {  	s0 =	simm.s32 @!p0 $0xC  }
0xa8: {  	_ =	swait.ge @!p0 [sflag:s0], s1  }
0xa9: {  	s1 =	ssub.s32 @!p0 $0x0, s1;
	[sflag:s0] =	ssyncset.done @!p0 $0x0  }
0xaa: {  	[sflag:s0] =	ssyncadd.s32 @!p0 s1  }
0xab: {  	[bflag:$0x3] =	sbarrier.arrive $0xFFFF  }
0xac: {  	_ =	shalt  }

</sc_bundles>
